<compile_context>
chip_gen: v7x
topology: tpu7x:2x2x1
jax: 0.10.2.dev20260603
libtpu: 0.0.44.dev20260713+nightly
codegen_flags: <defaults>
</compile_context>

<pallas_src>
import functools

import jax
import jax.numpy as jnp
from jax import lax
from jax.experimental import pallas as pl
from jax.experimental.pallas import tpu as pltpu
from jax.experimental.pallas import tpu_sc as plsc

NUM_EMBEDDINGS = 1000000
EMBEDDING_DIM = 64
BATCH = 16384
HIST = 50

_HPAD = 56
_DPAD = 128
_BB = 128

_info = plsc.get_sparse_core_info()
_NC = _info.num_cores
_NS = _info.num_subcores
_NW = _NC * _NS
_B_PER_W = BATCH // _NW
_BLK_PER_W = _B_PER_W // _BB
_NTASK = HIST * _BLK_PER_W
_PAIRS = _NTASK // 2


def _sc_gather(tds, weights):
    mesh = plsc.VectorSubcoreMesh(core_axis_name="c", subcore_axis_name="s")

    @functools.partial(
        pl.kernel,
        mesh=mesh,
        out_type=jax.ShapeDtypeStruct((BATCH, _HPAD, _DPAD), jnp.float32),
        scratch_types=[
            pltpu.VMEM((HIST, _B_PER_W), jnp.int32),
            pltpu.VMEM((_BB, EMBEDDING_DIM), jnp.float32),
            pltpu.VMEM((_BB, EMBEDDING_DIM), jnp.float32),
            pltpu.SemaphoreType.DMA,
            pltpu.SemaphoreType.DMA,
            pltpu.SemaphoreType.DMA,
            pltpu.SemaphoreType.DMA,
            pltpu.SemaphoreType.DMA,
        ],
        compiler_params=pltpu.CompilerParams(use_tc_tiling_on_sc=False),
    )
    def body(tds_hbm, table_hbm, out_hbm, idxbuf, rows0, rows1,
             isem, gsem0, gsem1, osem0, osem1):
        wid = lax.axis_index("s") * _NC + lax.axis_index("c")
        b0 = wid * _B_PER_W

        def gather(n, rowsv, gsem):
            h = n // _BLK_PER_W
            j = n % _BLK_PER_W
            return pltpu.async_copy(
                table_hbm.at[idxbuf.at[h, pl.ds(j * _BB, _BB)]], rowsv, gsem)

        def wait_gather(n, rowsv, gsem):
            h = n // _BLK_PER_W
            j = n % _BLK_PER_W
            pltpu.make_async_copy(
                table_hbm.at[idxbuf.at[h, pl.ds(j * _BB, _BB)]],
                rowsv, gsem).wait()

        def _dst(n):
            h = n // _BLK_PER_W
            j = n % _BLK_PER_W
            return out_hbm.at[
                pl.ds(b0 + j * _BB, _BB), h, pl.ds(0, EMBEDDING_DIM)]

        def put(n, rowsv, osem):
            return pltpu.async_copy(rowsv, _dst(n), osem)

        def wait_put(n, rowsv, osem):
            pltpu.make_async_copy(rowsv, _dst(n), osem).wait()

        pltpu.async_copy(
            tds_hbm.at[:, pl.ds(b0, _B_PER_W)], idxbuf, isem).wait()
        gather(0, rows0, gsem0)

        def step(p, carry):
            n = 2 * p

            @pl.when(p >= 1)
            def _():
                wait_put(n - 1, rows1, osem1)
            gather(n + 1, rows1, gsem1)

            wait_gather(n, rows0, gsem0)
            put(n, rows0, osem0)

            @pl.when(p + 1 < _PAIRS)
            def _():
                wait_put(n, rows0, osem0)
                gather(n + 2, rows0, gsem0)

            wait_gather(n + 1, rows1, gsem1)
            put(n + 1, rows1, osem1)
            return carry

        lax.fori_loop(0, _PAIRS, step, 0)
        wait_put(_NTASK - 2, rows0, osem0)
        wait_put(_NTASK - 1, rows1, osem1)

    return body(tds, weights)


def kernel(token_ids, weights):
    tds = token_ids.astype(jnp.int32).T
    padded = _sc_gather(tds, weights)
    return padded[:, :HIST, :EMBEDDING_DIM]

# --- scband reference (transcript-rebuilt; emitter-appended) ---
"""Pipeline reference for scband-embedding-23527830847629 (READ-ONLY COPY).

The authoritative reference and input builder live on the scoring server;
editing this copy changes nothing except your own understanding.
"""

import jax, jax.numpy as jnp
import numpy as np

NUM_EMBEDDINGS = 1000000
EMBEDDING_DIM = 64
BATCH = 16384
HIST = 50


def setup_inputs(seed: int = 0) -> dict:
    key = jax.random.key(seed)
    k_idx, k_w = jax.random.split(key)
    token_ids = jax.random.randint(k_idx, (BATCH, HIST), 0, NUM_EMBEDDINGS, dtype=jnp.int64 if jax.config.jax_enable_x64 else jnp.int32)
    # trunc_normal_(mean=0, std=1, a=-3, b=3)
    weights = jax.random.truncated_normal(k_w, -3.0, 3.0, (NUM_EMBEDDINGS, EMBEDDING_DIM), dtype=jnp.float32)
    return {"token_ids": token_ids, "weights": weights}


def reference(token_ids, weights):
    # Embedding.forward: self.weights[token_ids]
    return jnp.take(weights, token_ids, axis=0)

if __name__ == "__main__":
    import jax
    _d = setup_inputs()
    print(jax.jit(kernel)(*tuple(_d.values())))

</pallas_src>

<mosaic_0001>
#map = affine_map<(d0, d1) -> (0, 0)>
#map1 = affine_map<(d0, d1) -> (0, 0, 0)>
module attributes {stable_mosaic.version = 14 : i64} {
  func.func @body(%arg0: i32, %arg1: i32, %arg2: memref<50x16384xi32, #tpu.memory_space<hbm>>, %arg3: memref<1000000x64xf32, #tpu.memory_space<hbm>>, %arg4: memref<16384x56x128xf32, #tpu.memory_space<hbm>>, %arg5: memref<50x512xi32, #tpu.memory_space<vmem>>, %arg6: memref<128x64xf32, #tpu.memory_space<vmem>>, %arg7: memref<128x64xf32, #tpu.memory_space<vmem>>, %arg8: memref<!tpu.dma_semaphore, #tpu.memory_space<semaphore_mem>>, %arg9: memref<!tpu.dma_semaphore, #tpu.memory_space<semaphore_mem>>, %arg10: memref<!tpu.dma_semaphore, #tpu.memory_space<semaphore_mem>>, %arg11: memref<!tpu.dma_semaphore, #tpu.memory_space<semaphore_mem>>, %arg12: memref<!tpu.dma_semaphore, #tpu.memory_space<semaphore_mem>>) attributes {dimension_semantics = [#tpu.dimension_semantics<core_parallel>, #tpu.dimension_semantics<subcore_parallel>], iteration_bounds = array<i64: 2, 16>, scalar_prefetch = 0 : i64, scratch_operands = 8 : i64, tpu.core_type = #tpu.core_type<sc_vector_subcore>, window_params = [{transform_indices = #map}, {transform_indices = #map}, {transform_indices = #map1}]} {
    %mul3A = arith.constant 2 : i32
    %mul3A_0 = arith.muli %arg1, %mul3A : i32
    %add3A = arith.addi %mul3A_0, %arg0 : i32
    %mul3A_1 = arith.constant 512 : i32
    %mul3A_2 = arith.muli %add3A, %mul3A_1 : i32
    %dma_start3A = arith.constant 0 : i32
    %dma_start3A_3 = tpu.memref_slice %arg2[%dma_start3A, %mul3A_2] : memref<50x16384xi32, #tpu.memory_space<hbm>> -> memref<50x512xi32, #tpu.memory_space<hbm>>
    %dma_start3A_4 = arith.constant 0 : i32
    %dma_start3A_5 = tpu.memref_slice %arg2[%dma_start3A_4, %mul3A_2] : memref<50x16384xi32, #tpu.memory_space<hbm>> -> memref<50x512xi32, #tpu.memory_space<hbm>>
    tpu.enqueue_dma source(%dma_start3A_5 : memref<50x512xi32, #tpu.memory_space<hbm>>) target(%arg5 : memref<50x512xi32, #tpu.memory_space<vmem>>) target_semaphore(%arg8 : memref<!tpu.dma_semaphore, #tpu.memory_space<semaphore_mem>>)
    %dma_wait3A = arith.constant 0 : i32
    %dma_wait3A_6 = tpu.memref_slice %arg2[%dma_wait3A, %mul3A_2] : memref<50x16384xi32, #tpu.memory_space<hbm>> -> memref<50x512xi32, #tpu.memory_space<hbm>>
    %dma_wait3A_7 = arith.constant 0 : i32
    %dma_wait3A_8 = tpu.memref_slice %arg2[%dma_wait3A_7, %mul3A_2] : memref<50x16384xi32, #tpu.memory_space<hbm>> -> memref<50x512xi32, #tpu.memory_space<hbm>>
    tpu.wait_dma2 semaphore(%arg8 : memref<!tpu.dma_semaphore, #tpu.memory_space<semaphore_mem>>) src(%dma_wait3A_8 : memref<50x512xi32, #tpu.memory_space<hbm>>) dst(%arg5 : memref<50x512xi32, #tpu.memory_space<vmem>>)
    %dma_start3A_9 = arith.constant 0 : i32
    %dma_start3A_10 = arith.constant 0 : i32
    %dma_start3A_11 = tpu.memref_slice %arg5[%dma_start3A_9, %dma_start3A_10] : memref<50x512xi32, #tpu.memory_space<vmem>> -> memref<1x128xi32, #tpu.memory_space<vmem>>
    %dma_start3A_12 = tpu.memref_squeeze %dma_start3A_11 : memref<1x128xi32, #tpu.memory_space<vmem>> -> memref<128xi32, #tpu.memory_space<vmem>>
    %dma_start3A_13 = arith.constant 0 : i32
    %dma_start3A_14 = arith.constant 0 : i32
    %dma_start3A_15 = tpu.memref_slice %arg3[%dma_start3A_13, %dma_start3A_14] : memref<1000000x64xf32, #tpu.memory_space<hbm>> -> memref<1000000x64xf32, #tpu.memory_space<hbm>>
    tpu.enqueue_indirect_dma source(%dma_start3A_15 : memref<1000000x64xf32, #tpu.memory_space<hbm>>) target(%arg6 : memref<128x64xf32, #tpu.memory_space<vmem>>) offsets(%dma_start3A_12 : memref<128xi32, #tpu.memory_space<vmem>>) semaphore(%arg9 : memref<!tpu.dma_semaphore, #tpu.memory_space<semaphore_mem>>)
    %scan3A = arith.constant 0 : i32
    %scan3A_16 = arith.constant 0 : i32
    %scan3A_17 = arith.constant 100 : i32
    %scan3A_18 = arith.addi %scan3A_16, %scan3A_17 : i32
    %scan3A_19 = arith.constant 1 : i32
    scf.for %scan3A_39 = %scan3A_16 to %scan3A_18 step %scan3A_19  : i32 {
      %mul3A_40 = arith.constant 2 : i32
      %mul3A_41 = arith.muli %mul3A_40, %scan3A_39 : i32
      %ge3A = arith.constant 1 : i32
      %ge3A_42 = arith.cmpi sge, %scan3A_39, %ge3A : i32
      %convert_element_type3A = arith.extui %ge3A_42 : i1 to i32
      %cond3A = arith.constant 0 : i32
      %cond3A_43 = arith.cmpi ne, %convert_element_type3A, %cond3A : i32
      scf.if %cond3A_43 {
        %sub3A_286 = arith.constant 1 : i32
        %sub3A_287 = arith.subi %mul3A_41, %sub3A_286 : i32
        %jit3A_288 = arith.constant 4 : i32
        %div3A_289 = arith.divsi %sub3A_287, %jit3A_288 : i32
        %sign3A_290 = arith.constant 0 : i32
        %sign3A_291 = arith.cmpi sgt, %sub3A_287, %sign3A_290 : i32
        %sign3A_292 = arith.extui %sign3A_291 : i1 to i32
        %sign3A_293 = arith.constant 0 : i32
        %sign3A_294 = arith.cmpi slt, %sub3A_287, %sign3A_293 : i32
        %sign3A_295 = arith.extui %sign3A_294 : i1 to i32
        %sign3A_296 = arith.subi %sign3A_292, %sign3A_295 : i32
        %sign3A_297 = arith.constant 0 : i32
        %sign3A_298 = arith.cmpi sgt, %jit3A_288, %sign3A_297 : i32
        %sign3A_299 = arith.extui %sign3A_298 : i1 to i32
        %sign3A_300 = arith.constant 0 : i32
        %sign3A_301 = arith.cmpi slt, %jit3A_288, %sign3A_300 : i32
        %sign3A_302 = arith.extui %sign3A_301 : i1 to i32
        %sign3A_303 = arith.subi %sign3A_299, %sign3A_302 : i32
        %ne3A_304 = arith.cmpi ne, %sign3A_296, %sign3A_303 : i32
        %rem3A_305 = arith.remsi %sub3A_287, %jit3A_288 : i32
        %ne3A_306 = arith.constant 0 : i32
        %ne3A_307 = arith.cmpi ne, %rem3A_305, %ne3A_306 : i32
        %and3A_308 = arith.andi %ne3A_304, %ne3A_307 : i1
        %sub3A_309 = arith.constant 1 : i32
        %sub3A_310 = arith.subi %div3A_289, %sub3A_309 : i32
        %select_n3A_311 = arith.select %and3A_308, %sub3A_310, %div3A_289 : i32
        %jit3A_312 = arith.constant 4 : i32
        %eq3A_313 = arith.constant 0 : i32
        %eq3A_314 = arith.cmpi eq, %jit3A_312, %eq3A_313 : i32
        %jit3A_315 = arith.constant 1 : i32
        %select_n3A_316 = arith.select %eq3A_314, %jit3A_315, %jit3A_312 : i32
        %rem3A_317 = arith.remsi %sub3A_287, %select_n3A_316 : i32
        %ne3A_318 = arith.constant 0 : i32
        %ne3A_319 = arith.cmpi ne, %rem3A_317, %ne3A_318 : i32
        %lt3A_320 = arith.constant 0 : i32
        %lt3A_321 = arith.cmpi slt, %rem3A_317, %lt3A_320 : i32
        %lt3A_322 = arith.constant 0 : i32
        %lt3A_323 = arith.cmpi slt, %select_n3A_316, %lt3A_322 : i32
        %ne3A_324 = arith.xori %lt3A_321, %lt3A_323 : i1
        %and3A_325 = arith.andi %ne3A_324, %ne3A_319 : i1
        %add3A_326 = arith.addi %rem3A_317, %select_n3A_316 : i32
        %select_n3A_327 = arith.select %and3A_325, %add3A_326, %rem3A_317 : i32
        %mul3A_328 = arith.constant 128 : i32
        %mul3A_329 = arith.muli %select_n3A_327, %mul3A_328 : i32
        %add3A_330 = arith.addi %mul3A_2, %mul3A_329 : i32
        %dma_wait3A_331 = arith.constant 0 : i32
        %dma_wait3A_332 = tpu.memref_slice %arg4[%add3A_330, %select_n3A_311, %dma_wait3A_331] : memref<16384x56x128xf32, #tpu.memory_space<hbm>> -> memref<128x1x64xf32, #tpu.memory_space<hbm>>
        %dma_wait3A_333 = tpu.memref_squeeze %dma_wait3A_332 : memref<128x1x64xf32, #tpu.memory_space<hbm>> -> memref<128x64xf32, #tpu.memory_space<hbm>>
        %dma_wait3A_334 = arith.constant 0 : i32
        %dma_wait3A_335 = tpu.memref_slice %arg4[%add3A_330, %select_n3A_311, %dma_wait3A_334] : memref<16384x56x128xf32, #tpu.memory_space<hbm>> -> memref<128x1x64xf32, #tpu.memory_space<hbm>>
        %dma_wait3A_336 = tpu.memref_squeeze %dma_wait3A_335 : memref<128x1x64xf32, #tpu.memory_space<hbm>> -> memref<128x64xf32, #tpu.memory_space<hbm>>
        tpu.wait_dma2 semaphore(%arg12 : memref<!tpu.dma_semaphore, #tpu.memory_space<semaphore_mem>>) src(%arg7 : memref<128x64xf32, #tpu.memory_space<vmem>>) dst(%dma_wait3A_336 : memref<128x64xf32, #tpu.memory_space<hbm>>)
      } else {
      }
      %add3A_44 = arith.constant 1 : i32
      %add3A_45 = arith.addi %mul3A_41, %add3A_44 : i32
      %jit3A = arith.constant 4 : i32
      %div3A = arith.divsi %add3A_45, %jit3A : i32
      %sign3A = arith.constant 0 : i32
      %sign3A_46 = arith.cmpi sgt, %add3A_45, %sign3A : i32
      %sign3A_47 = arith.extui %sign3A_46 : i1 to i32
      %sign3A_48 = arith.constant 0 : i32
      %sign3A_49 = arith.cmpi slt, %add3A_45, %sign3A_48 : i32
      %sign3A_50 = arith.extui %sign3A_49 : i1 to i32
      %sign3A_51 = arith.subi %sign3A_47, %sign3A_50 : i32
      %sign3A_52 = arith.constant 0 : i32
      %sign3A_53 = arith.cmpi sgt, %jit3A, %sign3A_52 : i32
      %sign3A_54 = arith.extui %sign3A_53 : i1 to i32
      %sign3A_55 = arith.constant 0 : i32
      %sign3A_56 = arith.cmpi slt, %jit3A, %sign3A_55 : i32
      %sign3A_57 = arith.extui %sign3A_56 : i1 to i32
      %sign3A_58 = arith.subi %sign3A_54, %sign3A_57 : i32
      %ne3A = arith.cmpi ne, %sign3A_51, %sign3A_58 : i32
      %rem3A = arith.remsi %add3A_45, %jit3A : i32
      %ne3A_59 = arith.constant 0 : i32
      %ne3A_60 = arith.cmpi ne, %rem3A, %ne3A_59 : i32
      %and3A = arith.andi %ne3A, %ne3A_60 : i1
      %sub3A = arith.constant 1 : i32
      %sub3A_61 = arith.subi %div3A, %sub3A : i32
      %select_n3A = arith.select %and3A, %sub3A_61, %div3A : i32
      %jit3A_62 = arith.constant 4 : i32
      %eq3A = arith.constant 0 : i32
      %eq3A_63 = arith.cmpi eq, %jit3A_62, %eq3A : i32
      %jit3A_64 = arith.constant 1 : i32
      %select_n3A_65 = arith.select %eq3A_63, %jit3A_64, %jit3A_62 : i32
      %rem3A_66 = arith.remsi %add3A_45, %select_n3A_65 : i32
      %ne3A_67 = arith.constant 0 : i32
      %ne3A_68 = arith.cmpi ne, %rem3A_66, %ne3A_67 : i32
      %lt3A = arith.constant 0 : i32
      %lt3A_69 = arith.cmpi slt, %rem3A_66, %lt3A : i32
      %lt3A_70 = arith.constant 0 : i32
      %lt3A_71 = arith.cmpi slt, %select_n3A_65, %lt3A_70 : i32
      %ne3A_72 = arith.xori %lt3A_69, %lt3A_71 : i1
      %and3A_73 = arith.andi %ne3A_72, %ne3A_68 : i1
      %add3A_74 = arith.addi %rem3A_66, %select_n3A_65 : i32
      %select_n3A_75 = arith.select %and3A_73, %add3A_74, %rem3A_66 : i32
      %mul3A_76 = arith.constant 128 : i32
      %mul3A_77 = arith.muli %select_n3A_75, %mul3A_76 : i32
      %dma_start3A_78 = tpu.memref_slice %arg5[%select_n3A, %mul3A_77] : memref<50x512xi32, #tpu.memory_space<vmem>> -> memref<1x128xi32, #tpu.memory_space<vmem>>
      %dma_start3A_79 = tpu.memref_squeeze %dma_start3A_78 : memref<1x128xi32, #tpu.memory_space<vmem>> -> memref<128xi32, #tpu.memory_space<vmem>>
      %dma_start3A_80 = arith.constant 0 : i32
      %dma_start3A_81 = arith.constant 0 : i32
      %dma_start3A_82 = tpu.memref_slice %arg3[%dma_start3A_80, %dma_start3A_81] : memref<1000000x64xf32, #tpu.memory_space<hbm>> -> memref<1000000x64xf32, #tpu.memory_space<hbm>>
      tpu.enqueue_indirect_dma source(%dma_start3A_82 : memref<1000000x64xf32, #tpu.memory_space<hbm>>) target(%arg7 : memref<128x64xf32, #tpu.memory_space<vmem>>) offsets(%dma_start3A_79 : memref<128xi32, #tpu.memory_space<vmem>>) semaphore(%arg10 : memref<!tpu.dma_semaphore, #tpu.memory_space<semaphore_mem>>)
      %jit3A_83 = arith.constant 4 : i32
      %div3A_84 = arith.divsi %mul3A_41, %jit3A_83 : i32
      %sign3A_85 = arith.constant 0 : i32
      %sign3A_86 = arith.cmpi sgt, %mul3A_41, %sign3A_85 : i32
      %sign3A_87 = arith.extui %sign3A_86 : i1 to i32
      %sign3A_88 = arith.constant 0 : i32
      %sign3A_89 = arith.cmpi slt, %mul3A_41, %sign3A_88 : i32
      %sign3A_90 = arith.extui %sign3A_89 : i1 to i32
      %sign3A_91 = arith.subi %sign3A_87, %sign3A_90 : i32
      %sign3A_92 = arith.constant 0 : i32
      %sign3A_93 = arith.cmpi sgt, %jit3A_83, %sign3A_92 : i32
      %sign3A_94 = arith.extui %sign3A_93 : i1 to i32
      %sign3A_95 = arith.constant 0 : i32
      %sign3A_96 = arith.cmpi slt, %jit3A_83, %sign3A_95 : i32
      %sign3A_97 = arith.extui %sign3A_96 : i1 to i32
      %sign3A_98 = arith.subi %sign3A_94, %sign3A_97 : i32
      %ne3A_99 = arith.cmpi ne, %sign3A_91, %sign3A_98 : i32
      %rem3A_100 = arith.remsi %mul3A_41, %jit3A_83 : i32
      %ne3A_101 = arith.constant 0 : i32
      %ne3A_102 = arith.cmpi ne, %rem3A_100, %ne3A_101 : i32
      %and3A_103 = arith.andi %ne3A_99, %ne3A_102 : i1
      %sub3A_104 = arith.constant 1 : i32
      %sub3A_105 = arith.subi %div3A_84, %sub3A_104 : i32
      %select_n3A_106 = arith.select %and3A_103, %sub3A_105, %div3A_84 : i32
      %jit3A_107 = arith.constant 4 : i32
      %eq3A_108 = arith.constant 0 : i32
      %eq3A_109 = arith.cmpi eq, %jit3A_107, %eq3A_108 : i32
      %jit3A_110 = arith.constant 1 : i32
      %select_n3A_111 = arith.select %eq3A_109, %jit3A_110, %jit3A_107 : i32
      %rem3A_112 = arith.remsi %mul3A_41, %select_n3A_111 : i32
      %ne3A_113 = arith.constant 0 : i32
      %ne3A_114 = arith.cmpi ne, %rem3A_112, %ne3A_113 : i32
      %lt3A_115 = arith.constant 0 : i32
      %lt3A_116 = arith.cmpi slt, %rem3A_112, %lt3A_115 : i32
      %lt3A_117 = arith.constant 0 : i32
      %lt3A_118 = arith.cmpi slt, %select_n3A_111, %lt3A_117 : i32
      %ne3A_119 = arith.xori %lt3A_116, %lt3A_118 : i1
      %and3A_120 = arith.andi %ne3A_119, %ne3A_114 : i1
      %add3A_121 = arith.addi %rem3A_112, %select_n3A_111 : i32
      %select_n3A_122 = arith.select %and3A_120, %add3A_121, %rem3A_112 : i32
      %mul3A_123 = arith.constant 128 : i32
      %mul3A_124 = arith.muli %select_n3A_122, %mul3A_123 : i32
      %dma_wait3A_125 = tpu.memref_slice %arg5[%select_n3A_106, %mul3A_124] : memref<50x512xi32, #tpu.memory_space<vmem>> -> memref<1x128xi32, #tpu.memory_space<vmem>>
      %dma_wait3A_126 = tpu.memref_squeeze %dma_wait3A_125 : memref<1x128xi32, #tpu.memory_space<vmem>> -> memref<128xi32, #tpu.memory_space<vmem>>
      %dma_wait3A_127 = arith.constant 0 : i32
      %dma_wait3A_128 = arith.constant 0 : i32
      %dma_wait3A_129 = tpu.memref_slice %arg3[%dma_wait3A_127, %dma_wait3A_128] : memref<1000000x64xf32, #tpu.memory_space<hbm>> -> memref<1000000x64xf32, #tpu.memory_space<hbm>>
      tpu.wait_indirect_dma semaphore(%arg9 : memref<!tpu.dma_semaphore, #tpu.memory_space<semaphore_mem>>) src(%dma_wait3A_129 : memref<1000000x64xf32, #tpu.memory_space<hbm>>) dst(%arg6 : memref<128x64xf32, #tpu.memory_space<vmem>>)
      %jit3A_130 = arith.constant 4 : i32
      %div3A_131 = arith.divsi %mul3A_41, %jit3A_130 : i32
      %sign3A_132 = arith.constant 0 : i32
      %sign3A_133 = arith.cmpi sgt, %mul3A_41, %sign3A_132 : i32
      %sign3A_134 = arith.extui %sign3A_133 : i1 to i32
      %sign3A_135 = arith.constant 0 : i32
      %sign3A_136 = arith.cmpi slt, %mul3A_41, %sign3A_135 : i32
      %sign3A_137 = arith.extui %sign3A_136 : i1 to i32
      %sign3A_138 = arith.subi %sign3A_134, %sign3A_137 : i32
      %sign3A_139 = arith.constant 0 : i32
      %sign3A_140 = arith.cmpi sgt, %jit3A_130, %sign3A_139 : i32
      %sign3A_141 = arith.extui %sign3A_140 : i1 to i32
      %sign3A_142 = arith.constant 0 : i32
      %sign3A_143 = arith.cmpi slt, %jit3A_130, %sign3A_142 : i32
      %sign3A_144 = arith.extui %sign3A_143 : i1 to i32
      %sign3A_145 = arith.subi %sign3A_141, %sign3A_144 : i32
      %ne3A_146 = arith.cmpi ne, %sign3A_138, %sign3A_145 : i32
      %rem3A_147 = arith.remsi %mul3A_41, %jit3A_130 : i32
      %ne3A_148 = arith.constant 0 : i32
      %ne3A_149 = arith.cmpi ne, %rem3A_147, %ne3A_148 : i32
      %and3A_150 = arith.andi %ne3A_146, %ne3A_149 : i1
      %sub3A_151 = arith.constant 1 : i32
      %sub3A_152 = arith.subi %div3A_131, %sub3A_151 : i32
      %select_n3A_153 = arith.select %and3A_150, %sub3A_152, %div3A_131 : i32
      %jit3A_154 = arith.constant 4 : i32
      %eq3A_155 = arith.constant 0 : i32
      %eq3A_156 = arith.cmpi eq, %jit3A_154, %eq3A_155 : i32
      %jit3A_157 = arith.constant 1 : i32
      %select_n3A_158 = arith.select %eq3A_156, %jit3A_157, %jit3A_154 : i32
      %rem3A_159 = arith.remsi %mul3A_41, %select_n3A_158 : i32
      %ne3A_160 = arith.constant 0 : i32
      %ne3A_161 = arith.cmpi ne, %rem3A_159, %ne3A_160 : i32
      %lt3A_162 = arith.constant 0 : i32
      %lt3A_163 = arith.cmpi slt, %rem3A_159, %lt3A_162 : i32
      %lt3A_164 = arith.constant 0 : i32
      %lt3A_165 = arith.cmpi slt, %select_n3A_158, %lt3A_164 : i32
      %ne3A_166 = arith.xori %lt3A_163, %lt3A_165 : i1
      %and3A_167 = arith.andi %ne3A_166, %ne3A_161 : i1
      %add3A_168 = arith.addi %rem3A_159, %select_n3A_158 : i32
      %select_n3A_169 = arith.select %and3A_167, %add3A_168, %rem3A_159 : i32
      %mul3A_170 = arith.constant 128 : i32
      %mul3A_171 = arith.muli %select_n3A_169, %mul3A_170 : i32
      %add3A_172 = arith.addi %mul3A_2, %mul3A_171 : i32
      %dma_start3A_173 = arith.constant 0 : i32
      %dma_start3A_174 = tpu.memref_slice %arg4[%add3A_172, %select_n3A_153, %dma_start3A_173] : memref<16384x56x128xf32, #tpu.memory_space<hbm>> -> memref<128x1x64xf32, #tpu.memory_space<hbm>>
      %dma_start3A_175 = tpu.memref_squeeze %dma_start3A_174 : memref<128x1x64xf32, #tpu.memory_space<hbm>> -> memref<128x64xf32, #tpu.memory_space<hbm>>
      %dma_start3A_176 = arith.constant 0 : i32
      %dma_start3A_177 = tpu.memref_slice %arg4[%add3A_172, %select_n3A_153, %dma_start3A_176] : memref<16384x56x128xf32, #tpu.memory_space<hbm>> -> memref<128x1x64xf32, #tpu.memory_space<hbm>>
      %dma_start3A_178 = tpu.memref_squeeze %dma_start3A_177 : memref<128x1x64xf32, #tpu.memory_space<hbm>> -> memref<128x64xf32, #tpu.memory_space<hbm>>
      tpu.enqueue_dma source(%arg6 : memref<128x64xf32, #tpu.memory_space<vmem>>) target(%dma_start3A_178 : memref<128x64xf32, #tpu.memory_space<hbm>>) target_semaphore(%arg11 : memref<!tpu.dma_semaphore, #tpu.memory_space<semaphore_mem>>)
      %add3A_179 = arith.constant 1 : i32
      %add3A_180 = arith.addi %scan3A_39, %add3A_179 : i32
      %lt3A_181 = arith.constant 100 : i32
      %lt3A_182 = arith.cmpi slt, %add3A_180, %lt3A_181 : i32
      %convert_element_type3A_183 = arith.extui %lt3A_182 : i1 to i32
      %cond3A_184 = arith.constant 0 : i32
      %cond3A_185 = arith.cmpi ne, %convert_element_type3A_183, %cond3A_184 : i32
      scf.if %cond3A_185 {
        %jit3A_286 = arith.constant 4 : i32
        %div3A_287 = arith.divsi %mul3A_41, %jit3A_286 : i32
        %sign3A_288 = arith.constant 0 : i32
        %sign3A_289 = arith.cmpi sgt, %mul3A_41, %sign3A_288 : i32
        %sign3A_290 = arith.extui %sign3A_289 : i1 to i32
        %sign3A_291 = arith.constant 0 : i32
        %sign3A_292 = arith.cmpi slt, %mul3A_41, %sign3A_291 : i32
        %sign3A_293 = arith.extui %sign3A_292 : i1 to i32
        %sign3A_294 = arith.subi %sign3A_290, %sign3A_293 : i32
        %sign3A_295 = arith.constant 0 : i32
        %sign3A_296 = arith.cmpi sgt, %jit3A_286, %sign3A_295 : i32
        %sign3A_297 = arith.extui %sign3A_296 : i1 to i32
        %sign3A_298 = arith.constant 0 : i32
        %sign3A_299 = arith.cmpi slt, %jit3A_286, %sign3A_298 : i32
        %sign3A_300 = arith.extui %sign3A_299 : i1 to i32
        %sign3A_301 = arith.subi %sign3A_297, %sign3A_300 : i32
        %ne3A_302 = arith.cmpi ne, %sign3A_294, %sign3A_301 : i32
        %rem3A_303 = arith.remsi %mul3A_41, %jit3A_286 : i32
        %ne3A_304 = arith.constant 0 : i32
        %ne3A_305 = arith.cmpi ne, %rem3A_303, %ne3A_304 : i32
        %and3A_306 = arith.andi %ne3A_302, %ne3A_305 : i1
        %sub3A_307 = arith.constant 1 : i32
        %sub3A_308 = arith.subi %div3A_287, %sub3A_307 : i32
        %select_n3A_309 = arith.select %and3A_306, %sub3A_308, %div3A_287 : i32
        %jit3A_310 = arith.constant 4 : i32
        %eq3A_311 = arith.constant 0 : i32
        %eq3A_312 = arith.cmpi eq, %jit3A_310, %eq3A_311 : i32
        %jit3A_313 = arith.constant 1 : i32
        %select_n3A_314 = arith.select %eq3A_312, %jit3A_313, %jit3A_310 : i32
        %rem3A_315 = arith.remsi %mul3A_41, %select_n3A_314 : i32
        %ne3A_316 = arith.constant 0 : i32
        %ne3A_317 = arith.cmpi ne, %rem3A_315, %ne3A_316 : i32
        %lt3A_318 = arith.constant 0 : i32
        %lt3A_319 = arith.cmpi slt, %rem3A_315, %lt3A_318 : i32
        %lt3A_320 = arith.constant 0 : i32
        %lt3A_321 = arith.cmpi slt, %select_n3A_314, %lt3A_320 : i32
        %ne3A_322 = arith.xori %lt3A_319, %lt3A_321 : i1
        %and3A_323 = arith.andi %ne3A_322, %ne3A_317 : i1
        %add3A_324 = arith.addi %rem3A_315, %select_n3A_314 : i32
        %select_n3A_325 = arith.select %and3A_323, %add3A_324, %rem3A_315 : i32
        %mul3A_326 = arith.constant 128 : i32
        %mul3A_327 = arith.muli %select_n3A_325, %mul3A_326 : i32
        %add3A_328 = arith.addi %mul3A_2, %mul3A_327 : i32
        %dma_wait3A_329 = arith.constant 0 : i32
        %dma_wait3A_330 = tpu.memref_slice %arg4[%add3A_328, %select_n3A_309, %dma_wait3A_329] : memref<16384x56x128xf32, #tpu.memory_space<hbm>> -> memref<128x1x64xf32, #tpu.memory_space<hbm>>
        %dma_wait3A_331 = tpu.memref_squeeze %dma_wait3A_330 : memref<128x1x64xf32, #tpu.memory_space<hbm>> -> memref<128x64xf32, #tpu.memory_space<hbm>>
        %dma_wait3A_332 = arith.constant 0 : i32
        %dma_wait3A_333 = tpu.memref_slice %arg4[%add3A_328, %select_n3A_309, %dma_wait3A_332] : memref<16384x56x128xf32, #tpu.memory_space<hbm>> -> memref<128x1x64xf32, #tpu.memory_space<hbm>>
        %dma_wait3A_334 = tpu.memref_squeeze %dma_wait3A_333 : memref<128x1x64xf32, #tpu.memory_space<hbm>> -> memref<128x64xf32, #tpu.memory_space<hbm>>
        tpu.wait_dma2 semaphore(%arg11 : memref<!tpu.dma_semaphore, #tpu.memory_space<semaphore_mem>>) src(%arg6 : memref<128x64xf32, #tpu.memory_space<vmem>>) dst(%dma_wait3A_334 : memref<128x64xf32, #tpu.memory_space<hbm>>)
        %add3A_335 = arith.constant 2 : i32
        %add3A_336 = arith.addi %mul3A_41, %add3A_335 : i32
        %jit3A_337 = arith.constant 4 : i32
        %div3A_338 = arith.divsi %add3A_336, %jit3A_337 : i32
        %sign3A_339 = arith.constant 0 : i32
        %sign3A_340 = arith.cmpi sgt, %add3A_336, %sign3A_339 : i32
        %sign3A_341 = arith.extui %sign3A_340 : i1 to i32
        %sign3A_342 = arith.constant 0 : i32
        %sign3A_343 = arith.cmpi slt, %add3A_336, %sign3A_342 : i32
        %sign3A_344 = arith.extui %sign3A_343 : i1 to i32
        %sign3A_345 = arith.subi %sign3A_341, %sign3A_344 : i32
        %sign3A_346 = arith.constant 0 : i32
        %sign3A_347 = arith.cmpi sgt, %jit3A_337, %sign3A_346 : i32
        %sign3A_348 = arith.extui %sign3A_347 : i1 to i32
        %sign3A_349 = arith.constant 0 : i32
        %sign3A_350 = arith.cmpi slt, %jit3A_337, %sign3A_349 : i32
        %sign3A_351 = arith.extui %sign3A_350 : i1 to i32
        %sign3A_352 = arith.subi %sign3A_348, %sign3A_351 : i32
        %ne3A_353 = arith.cmpi ne, %sign3A_345, %sign3A_352 : i32
        %rem3A_354 = arith.remsi %add3A_336, %jit3A_337 : i32
        %ne3A_355 = arith.constant 0 : i32
        %ne3A_356 = arith.cmpi ne, %rem3A_354, %ne3A_355 : i32
        %and3A_357 = arith.andi %ne3A_353, %ne3A_356 : i1
        %sub3A_358 = arith.constant 1 : i32
        %sub3A_359 = arith.subi %div3A_338, %sub3A_358 : i32
        %select_n3A_360 = arith.select %and3A_357, %sub3A_359, %div3A_338 : i32
        %jit3A_361 = arith.constant 4 : i32
        %eq3A_362 = arith.constant 0 : i32
        %eq3A_363 = arith.cmpi eq, %jit3A_361, %eq3A_362 : i32
        %jit3A_364 = arith.constant 1 : i32
        %select_n3A_365 = arith.select %eq3A_363, %jit3A_364, %jit3A_361 : i32
        %rem3A_366 = arith.remsi %add3A_336, %select_n3A_365 : i32
        %ne3A_367 = arith.constant 0 : i32
        %ne3A_368 = arith.cmpi ne, %rem3A_366, %ne3A_367 : i32
        %lt3A_369 = arith.constant 0 : i32
        %lt3A_370 = arith.cmpi slt, %rem3A_366, %lt3A_369 : i32
        %lt3A_371 = arith.constant 0 : i32
        %lt3A_372 = arith.cmpi slt, %select_n3A_365, %lt3A_371 : i32
        %ne3A_373 = arith.xori %lt3A_370, %lt3A_372 : i1
        %and3A_374 = arith.andi %ne3A_373, %ne3A_368 : i1
        %add3A_375 = arith.addi %rem3A_366, %select_n3A_365 : i32
        %select_n3A_376 = arith.select %and3A_374, %add3A_375, %rem3A_366 : i32
        %mul3A_377 = arith.constant 128 : i32
        %mul3A_378 = arith.muli %select_n3A_376, %mul3A_377 : i32
        %dma_start3A_379 = tpu.memref_slice %arg5[%select_n3A_360, %mul3A_378] : memref<50x512xi32, #tpu.memory_space<vmem>> -> memref<1x128xi32, #tpu.memory_space<vmem>>
        %dma_start3A_380 = tpu.memref_squeeze %dma_start3A_379 : memref<1x128xi32, #tpu.memory_space<vmem>> -> memref<128xi32, #tpu.memory_space<vmem>>
        %dma_start3A_381 = arith.constant 0 : i32
        %dma_start3A_382 = arith.constant 0 : i32
        %dma_start3A_383 = tpu.memref_slice %arg3[%dma_start3A_381, %dma_start3A_382] : memref<1000000x64xf32, #tpu.memory_space<hbm>> -> memref<1000000x64xf32, #tpu.memory_space<hbm>>
        tpu.enqueue_indirect_dma source(%dma_start3A_383 : memref<1000000x64xf32, #tpu.memory_space<hbm>>) target(%arg6 : memref<128x64xf32, #tpu.memory_space<vmem>>) offsets(%dma_start3A_380 : memref<128xi32, #tpu.memory_space<vmem>>) semaphore(%arg9 : memref<!tpu.dma_semaphore, #tpu.memory_space<semaphore_mem>>)
      } else {
      }
      %add3A_186 = arith.constant 1 : i32
      %add3A_187 = arith.addi %mul3A_41, %add3A_186 : i32
      %jit3A_188 = arith.constant 4 : i32
      %div3A_189 = arith.divsi %add3A_187, %jit3A_188 : i32
      %sign3A_190 = arith.constant 0 : i32
      %sign3A_191 = arith.cmpi sgt, %add3A_187, %sign3A_190 : i32
      %sign3A_192 = arith.extui %sign3A_191 : i1 to i32
      %sign3A_193 = arith.constant 0 : i32
      %sign3A_194 = arith.cmpi slt, %add3A_187, %sign3A_193 : i32
      %sign3A_195 = arith.extui %sign3A_194 : i1 to i32
      %sign3A_196 = arith.subi %sign3A_192, %sign3A_195 : i32
      %sign3A_197 = arith.constant 0 : i32
      %sign3A_198 = arith.cmpi sgt, %jit3A_188, %sign3A_197 : i32
      %sign3A_199 = arith.extui %sign3A_198 : i1 to i32
      %sign3A_200 = arith.constant 0 : i32
      %sign3A_201 = arith.cmpi slt, %jit3A_188, %sign3A_200 : i32
      %sign3A_202 = arith.extui %sign3A_201 : i1 to i32
      %sign3A_203 = arith.subi %sign3A_199, %sign3A_202 : i32
      %ne3A_204 = arith.cmpi ne, %sign3A_196, %sign3A_203 : i32
      %rem3A_205 = arith.remsi %add3A_187, %jit3A_188 : i32
      %ne3A_206 = arith.constant 0 : i32
      %ne3A_207 = arith.cmpi ne, %rem3A_205, %ne3A_206 : i32
      %and3A_208 = arith.andi %ne3A_204, %ne3A_207 : i1
      %sub3A_209 = arith.constant 1 : i32
      %sub3A_210 = arith.subi %div3A_189, %sub3A_209 : i32
      %select_n3A_211 = arith.select %and3A_208, %sub3A_210, %div3A_189 : i32
      %jit3A_212 = arith.constant 4 : i32
      %eq3A_213 = arith.constant 0 : i32
      %eq3A_214 = arith.cmpi eq, %jit3A_212, %eq3A_213 : i32
      %jit3A_215 = arith.constant 1 : i32
      %select_n3A_216 = arith.select %eq3A_214, %jit3A_215, %jit3A_212 : i32
      %rem3A_217 = arith.remsi %add3A_187, %select_n3A_216 : i32
      %ne3A_218 = arith.constant 0 : i32
      %ne3A_219 = arith.cmpi ne, %rem3A_217, %ne3A_218 : i32
      %lt3A_220 = arith.constant 0 : i32
      %lt3A_221 = arith.cmpi slt, %rem3A_217, %lt3A_220 : i32
      %lt3A_222 = arith.constant 0 : i32
      %lt3A_223 = arith.cmpi slt, %select_n3A_216, %lt3A_222 : i32
      %ne3A_224 = arith.xori %lt3A_221, %lt3A_223 : i1
      %and3A_225 = arith.andi %ne3A_224, %ne3A_219 : i1
      %add3A_226 = arith.addi %rem3A_217, %select_n3A_216 : i32
      %select_n3A_227 = arith.select %and3A_225, %add3A_226, %rem3A_217 : i32
      %mul3A_228 = arith.constant 128 : i32
      %mul3A_229 = arith.muli %select_n3A_227, %mul3A_228 : i32
      %dma_wait3A_230 = tpu.memref_slice %arg5[%select_n3A_211, %mul3A_229] : memref<50x512xi32, #tpu.memory_space<vmem>> -> memref<1x128xi32, #tpu.memory_space<vmem>>
      %dma_wait3A_231 = tpu.memref_squeeze %dma_wait3A_230 : memref<1x128xi32, #tpu.memory_space<vmem>> -> memref<128xi32, #tpu.memory_space<vmem>>
      %dma_wait3A_232 = arith.constant 0 : i32
      %dma_wait3A_233 = arith.constant 0 : i32
      %dma_wait3A_234 = tpu.memref_slice %arg3[%dma_wait3A_232, %dma_wait3A_233] : memref<1000000x64xf32, #tpu.memory_space<hbm>> -> memref<1000000x64xf32, #tpu.memory_space<hbm>>
      tpu.wait_indirect_dma semaphore(%arg10 : memref<!tpu.dma_semaphore, #tpu.memory_space<semaphore_mem>>) src(%dma_wait3A_234 : memref<1000000x64xf32, #tpu.memory_space<hbm>>) dst(%arg7 : memref<128x64xf32, #tpu.memory_space<vmem>>)
      %add3A_235 = arith.constant 1 : i32
      %add3A_236 = arith.addi %mul3A_41, %add3A_235 : i32
      %jit3A_237 = arith.constant 4 : i32
      %div3A_238 = arith.divsi %add3A_236, %jit3A_237 : i32
      %sign3A_239 = arith.constant 0 : i32
      %sign3A_240 = arith.cmpi sgt, %add3A_236, %sign3A_239 : i32
      %sign3A_241 = arith.extui %sign3A_240 : i1 to i32
      %sign3A_242 = arith.constant 0 : i32
      %sign3A_243 = arith.cmpi slt, %add3A_236, %sign3A_242 : i32
      %sign3A_244 = arith.extui %sign3A_243 : i1 to i32
      %sign3A_245 = arith.subi %sign3A_241, %sign3A_244 : i32
      %sign3A_246 = arith.constant 0 : i32
      %sign3A_247 = arith.cmpi sgt, %jit3A_237, %sign3A_246 : i32
      %sign3A_248 = arith.extui %sign3A_247 : i1 to i32
      %sign3A_249 = arith.constant 0 : i32
      %sign3A_250 = arith.cmpi slt, %jit3A_237, %sign3A_249 : i32
      %sign3A_251 = arith.extui %sign3A_250 : i1 to i32
      %sign3A_252 = arith.subi %sign3A_248, %sign3A_251 : i32
      %ne3A_253 = arith.cmpi ne, %sign3A_245, %sign3A_252 : i32
      %rem3A_254 = arith.remsi %add3A_236, %jit3A_237 : i32
      %ne3A_255 = arith.constant 0 : i32
      %ne3A_256 = arith.cmpi ne, %rem3A_254, %ne3A_255 : i32
      %and3A_257 = arith.andi %ne3A_253, %ne3A_256 : i1
      %sub3A_258 = arith.constant 1 : i32
      %sub3A_259 = arith.subi %div3A_238, %sub3A_258 : i32
      %select_n3A_260 = arith.select %and3A_257, %sub3A_259, %div3A_238 : i32
      %jit3A_261 = arith.constant 4 : i32
      %eq3A_262 = arith.constant 0 : i32
      %eq3A_263 = arith.cmpi eq, %jit3A_261, %eq3A_262 : i32
      %jit3A_264 = arith.constant 1 : i32
      %select_n3A_265 = arith.select %eq3A_263, %jit3A_264, %jit3A_261 : i32
      %rem3A_266 = arith.remsi %add3A_236, %select_n3A_265 : i32
      %ne3A_267 = arith.constant 0 : i32
      %ne3A_268 = arith.cmpi ne, %rem3A_266, %ne3A_267 : i32
      %lt3A_269 = arith.constant 0 : i32
      %lt3A_270 = arith.cmpi slt, %rem3A_266, %lt3A_269 : i32
      %lt3A_271 = arith.constant 0 : i32
      %lt3A_272 = arith.cmpi slt, %select_n3A_265, %lt3A_271 : i32
      %ne3A_273 = arith.xori %lt3A_270, %lt3A_272 : i1
      %and3A_274 = arith.andi %ne3A_273, %ne3A_268 : i1
      %add3A_275 = arith.addi %rem3A_266, %select_n3A_265 : i32
      %select_n3A_276 = arith.select %and3A_274, %add3A_275, %rem3A_266 : i32
      %mul3A_277 = arith.constant 128 : i32
      %mul3A_278 = arith.muli %select_n3A_276, %mul3A_277 : i32
      %add3A_279 = arith.addi %mul3A_2, %mul3A_278 : i32
      %dma_start3A_280 = arith.constant 0 : i32
      %dma_start3A_281 = tpu.memref_slice %arg4[%add3A_279, %select_n3A_260, %dma_start3A_280] : memref<16384x56x128xf32, #tpu.memory_space<hbm>> -> memref<128x1x64xf32, #tpu.memory_space<hbm>>
      %dma_start3A_282 = tpu.memref_squeeze %dma_start3A_281 : memref<128x1x64xf32, #tpu.memory_space<hbm>> -> memref<128x64xf32, #tpu.memory_space<hbm>>
      %dma_start3A_283 = arith.constant 0 : i32
      %dma_start3A_284 = tpu.memref_slice %arg4[%add3A_279, %select_n3A_260, %dma_start3A_283] : memref<16384x56x128xf32, #tpu.memory_space<hbm>> -> memref<128x1x64xf32, #tpu.memory_space<hbm>>
      %dma_start3A_285 = tpu.memref_squeeze %dma_start3A_284 : memref<128x1x64xf32, #tpu.memory_space<hbm>> -> memref<128x64xf32, #tpu.memory_space<hbm>>
      tpu.enqueue_dma source(%arg7 : memref<128x64xf32, #tpu.memory_space<vmem>>) target(%dma_start3A_285 : memref<128x64xf32, #tpu.memory_space<hbm>>) target_semaphore(%arg12 : memref<!tpu.dma_semaphore, #tpu.memory_space<semaphore_mem>>)
    }
    %scan3A_20 = arith.constant 100 : i32
    %add3A_21 = arith.constant 256 : i32
    %add3A_22 = arith.addi %mul3A_2, %add3A_21 : i32
    %dma_wait3A_23 = arith.constant 49 : i32
    %dma_wait3A_24 = arith.constant 0 : i32
    %dma_wait3A_25 = tpu.memref_slice %arg4[%add3A_22, %dma_wait3A_23, %dma_wait3A_24] : memref<16384x56x128xf32, #tpu.memory_space<hbm>> -> memref<128x1x64xf32, #tpu.memory_space<hbm>>
    %dma_wait3A_26 = tpu.memref_squeeze %dma_wait3A_25 : memref<128x1x64xf32, #tpu.memory_space<hbm>> -> memref<128x64xf32, #tpu.memory_space<hbm>>
    %dma_wait3A_27 = arith.constant 0 : i32
    %dma_wait3A_28 = tpu.memref_slice %arg4[%add3A_22, %dma_wait3A_23, %dma_wait3A_27] : memref<16384x56x128xf32, #tpu.memory_space<hbm>> -> memref<128x1x64xf32, #tpu.memory_space<hbm>>
    %dma_wait3A_29 = tpu.memref_squeeze %dma_wait3A_28 : memref<128x1x64xf32, #tpu.memory_space<hbm>> -> memref<128x64xf32, #tpu.memory_space<hbm>>
    tpu.wait_dma2 semaphore(%arg11 : memref<!tpu.dma_semaphore, #tpu.memory_space<semaphore_mem>>) src(%arg6 : memref<128x64xf32, #tpu.memory_space<vmem>>) dst(%dma_wait3A_29 : memref<128x64xf32, #tpu.memory_space<hbm>>)
    %add3A_30 = arith.constant 384 : i32
    %add3A_31 = arith.addi %mul3A_2, %add3A_30 : i32
    %dma_wait3A_32 = arith.constant 49 : i32
    %dma_wait3A_33 = arith.constant 0 : i32
    %dma_wait3A_34 = tpu.memref_slice %arg4[%add3A_31, %dma_wait3A_32, %dma_wait3A_33] : memref<16384x56x128xf32, #tpu.memory_space<hbm>> -> memref<128x1x64xf32, #tpu.memory_space<hbm>>
    %dma_wait3A_35 = tpu.memref_squeeze %dma_wait3A_34 : memref<128x1x64xf32, #tpu.memory_space<hbm>> -> memref<128x64xf32, #tpu.memory_space<hbm>>
    %dma_wait3A_36 = arith.constant 0 : i32
    %dma_wait3A_37 = tpu.memref_slice %arg4[%add3A_31, %dma_wait3A_32, %dma_wait3A_36] : memref<16384x56x128xf32, #tpu.memory_space<hbm>> -> memref<128x1x64xf32, #tpu.memory_space<hbm>>
    %dma_wait3A_38 = tpu.memref_squeeze %dma_wait3A_37 : memref<128x1x64xf32, #tpu.memory_space<hbm>> -> memref<128x64xf32, #tpu.memory_space<hbm>>
    tpu.wait_dma2 semaphore(%arg12 : memref<!tpu.dma_semaphore, #tpu.memory_space<semaphore_mem>>) src(%arg7 : memref<128x64xf32, #tpu.memory_space<vmem>>) dst(%dma_wait3A_38 : memref<128x64xf32, #tpu.memory_space<hbm>>)
    return
  }
}

</mosaic_0001>

<sc_bundles>
// kernel: kernel.3.cloned.1.call-start
scs
__scs_entry_jumppad:
0x0: {  	(pc) =	sbr.rel $0x88, $3  }
0x1: {  	(tag) =	ssettag $0x0;
	lr =	simm.s32 $0x1  }
0x2: {  	[smem:$0x3F9F] =	sst lr;
	_ =	strace $0xD0000000  }
0x3: {  	_ = 	snop  }
0x4: {  	_ = 	snop  }
0x5: {  	_ = 	snop  }
0x6: {  	_ = 	snop  }
0x7: {  	_ = 	snop  }
__scs_overlays_trampoline_lowered:
0x8: {  	[smem:$0x3FAE] =	sst s0  }
0x9: {  	[smem:$0x3FAF] =	sst s1  }
0xa: {  	[smem:$0x3FB0] =	sst s2  }
0xb: {  	[smem:$0x3FB1] =	sst s3  }
0xc: {  	[smem:$0x3FB2] =	sst s4  }
0xd: {  	[smem:$0x3FB3] =	sst s5  }
0xe: {  	[smem:$0x3FB4] =	sst s6  }
0xf: {  	[smem:$0x3FB5] =	sst s7  }
0x10: {  	[smem:$0x3FB6] =	sst s8  }
0x11: {  	[smem:$0x3FB7] =	sst s9;
	s0 =	simm.s32 @!p0 $0x0  }
0x12: {  	s1 =	sld [smem:$0x3F9D];
	s0 =	simm.s32 @p0 $0x1  }
0x13: {  	[smem:$0x3FB8] =	sst s0;
	s0 =	simm.s32 @!p1 $0x0  }
0x14: {  	s2 =	sld [smem:$0x3F9C];
	s0 =	simm.s32 @p1 $0x1  }
0x15: {  	[smem:$0x3FB9] =	sst s0;
	s0 =	simm.s32 @!p2 $0x0  }
0x16: {  	s3 =	sld [smem:$0x3FDB];
	s0 =	simm.s32 @p2 $0x1  }
0x17: {  	s4 =	simm.s32 $0x1BF5;
	[smem:$0x3FBB] =	sst s0  }
0x18: {  	s0 =	sld [smem:$0x3F9E];
	_ =	swait.ge [sflag:s4], $0x0  }
0x19: {  	s7 =	sld [smem:$0x3F9F]  }
0x1a: {  	s8 =	sadd.s32 $0xFFFFE003, lr  }
0x1b: {  	s9 =	sadd.s32 $0xFFFFFEF7, lr;
	s5 =	simm.s32 $0xFFFFFFFF;
	p2 =	slt.u32 s8, $0xFFFFF086  }
0x1c: {  	p1 =	slt.u32 s9, $0xF7A;
	s5 =	simm.s32 @!p2 $0x0  }
0x1d: {  	s5 =	simm.s32 @p1 $0x1;
	p0 =	seq.s32 s7, s2  }
0x1e: {  	s7 =	smul.u32 @!p0 $0xF7A, s2;
	p2 =	seq.s32 @!p0 s5, $0x0  }
0x1f: {  	s9 =	smul.u32 $0xF7A, s1;
	s8 =	simm.s32 @!p0 $0x1BF5;
	p2 =	por !p2, p0  }
0x20: {  	[sflag:s8] =	ssyncset.s32 @!p0 $0xFFFFF086;
	s6 =	sadd.s32 @!p0 s3, s7;
	s7 =	simm.s32 @!p0 $0x108  }
0x21: {  	s3 =	sadd.s32 s3, s9;
	s6 =	sadd.s32 @!p0 $0x88, s6;
	s7 =	simm.s32 @p2 $0x1082  }
0x22: {  	[simem:s7], [sflag:s8] =	dma.local @!p0 [hbm:s6], $0xF7A  }
0x23: {  	s9 =	sor.u32 $0xD0000000, s2;
	s6 =	simm.s32 $0x108;
	_ =	swait.ge @!p0 [sflag:s8], $0x0  }
0x24: {  	s3 =	sadd.s32 $0x88, s3;
	s6 =	simm.s32 @!p1 $0x1082;
	[sflag:s4] =	ssyncset.s32 $0xFFFFF086  }
0x25: {  	[simem:s6], [sflag:s4] =	dma.local [hbm:s3], $0xF7A  }
0x26: {  	[smem:$0x3F9F] =	sst s1;
	(tag) =	ssettag s2;
	_ =	strace s9  }
0x27: {  	s1 =	sld [smem:$0x3FAF]  }
0x28: {  	s2 =	sld [smem:$0x3FB0]  }
0x29: {  	s4 =	sld [smem:$0x3FB2]  }
0x2a: {  	p0 =	seq.s32 s5, $0x0;
	s5 =	sld [smem:$0x3FB3]  }
0x2b: {  	s6 =	sld [smem:$0x3FB4]  }
0x2c: {  	s7 =	sld [smem:$0x3FB5]  }
0x2d: {  	s3 =	simm.s32 $0x108;
	s8 =	sld [smem:$0x3FB6]  }
0x2e: {  	s3 =	simm.s32 @!p0 $0x1082;
	s9 =	sld [smem:$0x3FB7]  }
0x2f: {  	lr =	sadd.s32 s0, s3;
	s0 =	sld [smem:$0x3FAE]  }
0x30: {  	s3 =	sld [smem:$0x3FB1]  }
0x31: {  	[smem:$0x3FBA] =	sst s10  }
0x32: {  	s10 =	sld [smem:$0x3FB8];
	_ =	sdelay $0x3  }
0x33: {  	p0 =	seq.s32 s10, $0x1;
	s10 =	sld [smem:$0x3FBA];
	_ =	sdelay $0x3  }
0x34: {  	[smem:$0x3FBA] =	sst s10  }
0x35: {  	s10 =	sld [smem:$0x3FB9];
	_ =	sdelay $0x3  }
0x36: {  	p1 =	seq.s32 s10, $0x1;
	s10 =	sld [smem:$0x3FBA];
	_ =	sdelay $0x3  }
0x37: {  	[smem:$0x3FBA] =	sst s10  }
0x38: {  	s10 =	sld [smem:$0x3FBB]  }
0x39: {  	_ = 	snop;
	(pc) =	sbr.ind lr, $3  }
0x3a: {  	_ = 	snop  }
0x3b: {  	_ = 	snop  }
0x3c: {  	p2 =	seq.s32 s10, $0x1;
	s10 =	sld [smem:$0x3FBA]  }
0x3d: {  	_ =	shalt  }
0x3e: {  	_ =	shalt  }
0x3f: {  	_ =	shalt  }
0x40: {  	_ =	shalt  }
0x41: {  	_ =	shalt  }
0x42: {  	_ =	shalt  }
0x43: {  	_ =	shalt  }
0x44: {  	_ =	shalt  }
0x45: {  	_ =	shalt  }
0x46: {  	_ =	shalt  }
0x47: {  	_ =	shalt  }
0x48: {  	_ =	shalt  }
0x49: {  	_ =	shalt  }
0x4a: {  	_ =	shalt  }
0x4b: {  	_ =	shalt  }
0x4c: {  	_ =	shalt  }
0x4d: {  	_ =	shalt  }
0x4e: {  	_ =	shalt  }
0x4f: {  	_ =	shalt  }
0x50: {  	_ =	shalt  }
0x51: {  	_ =	shalt  }
0x52: {  	_ =	shalt  }
0x53: {  	_ =	shalt  }
0x54: {  	_ =	shalt  }
0x55: {  	_ =	shalt  }
0x56: {  	_ =	shalt  }
0x57: {  	_ =	shalt  }
0x58: {  	_ =	shalt  }
0x59: {  	_ =	shalt  }
0x5a: {  	_ =	shalt  }
0x5b: {  	_ =	shalt  }
0x5c: {  	_ =	shalt  }
0x5d: {  	_ =	shalt  }
0x5e: {  	_ =	shalt  }
0x5f: {  	_ =	shalt  }
0x60: {  	_ =	shalt  }
0x61: {  	_ =	shalt  }
0x62: {  	_ =	shalt  }
0x63: {  	_ =	shalt  }
0x64: {  	_ =	shalt  }
0x65: {  	_ =	shalt  }
0x66: {  	_ =	shalt  }
0x67: {  	_ =	shalt  }
0x68: {  	_ =	shalt  }
0x69: {  	_ =	shalt  }
0x6a: {  	_ =	shalt  }
0x6b: {  	_ =	shalt  }
0x6c: {  	_ =	shalt  }
0x6d: {  	_ =	shalt  }
0x6e: {  	_ =	shalt  }
0x6f: {  	_ =	shalt  }
0x70: {  	_ =	shalt  }
0x71: {  	_ =	shalt  }
0x72: {  	_ =	shalt  }
0x73: {  	_ =	shalt  }
0x74: {  	_ =	shalt  }
0x75: {  	_ =	shalt  }
0x76: {  	_ =	shalt  }
0x77: {  	_ =	shalt  }
0x78: {  	_ =	shalt  }
0x79: {  	_ =	shalt  }
0x7a: {  	_ =	shalt  }
0x7b: {  	_ =	shalt  }
0x7c: {  	_ =	shalt  }
0x7d: {  	_ =	shalt  }
0x7e: {  	_ =	shalt  }
0x7f: {  	_ =	shalt  }
0x80: {  	_ =	shalt  }
0x81: {  	_ =	shalt  }
0x82: {  	_ =	shalt  }
0x83: {  	_ =	shalt  }
0x84: {  	_ =	shalt  }
0x85: {  	_ =	shalt  }
0x86: {  	_ =	shalt  }
0x87: {  	_ =	shalt  }
.Lfunc_end0:
.L_simem_size_0:
called_computation.1_lowered:
.L_overlay_start_0:
0x88: {  	s2 =	sld [smem:$0x3FD9]  }
0x89: {  	s3 =	sld [smem:$0x3FFE];
	_ =	sdelay $0x1  }
0x8a: {  	s1 =	srdreg.scid  }
0x8b: {  	s0 =	sand.u32 $0x1, s1  }
0x8c: {  	s17 =	sshll.u32 s0, $0xA;
	s2 =	sadd.s32 s3, s2  }
0x8d: {  	s2 =	sadd.s32 s2, s17  }
0x8e: {  	[smem:$0x3FC6] =	sst s2  }
0x8f: {  	_ = 	snop  }
0x90: {  	s2 =	sld [smem:$0x3FD0];
	(tm) =	ssettm $0x1  }
0x91: {  	s18 =	sld [smem:$0x3FFB];
	_ =	sdelay $0x3  }
0x92: {  	_ =	strace s18  }
0x93: {  	s3 =	sld [smem:$0x3FFC];
	_ =	sdelay $0x3  }
0x94: {  	_ =	strace s3  }
0x95: {  	s3 =	sld [smem:$0x3FFD];
	_ =	sdelay $0x3  }
0x96: {  	_ =	strace s3  }
0x97: {  	_ =	strace $0x8FFFFFFF  }
0x98: {  	s19 =	sld [smem:$0x3FDB];
	_ =	sdelay $0x1  }
0x99: {  	s4 =	simm.s32 $_scs_section_size  }
0x9a: {  	s5 =	simm.s32 $_size__tile_overlayer_lowered;
	s6 =	simm.s32 $_tile_overlayer_lowered  }
0x9b: {  	s22 =	simm.s32 $0x1BFF;
	s21 =	sshll.u32 s6, $0x1;
	s3 =	sadd.s32 s4, s19  }
0x9c: {  	s7 =	simm.s32 $0x0;
	s20 =	sshll.u32 s5, $0x1;
	s5 =	sadd.s32 s21, s3  }
0x9d: {  	[timem:s7], [sflag:s22] =	dma.local [hbm:s5], s20  }
0x9e: {  	_ =	swait.ge [sflag:s22], s20  }
0x9f: {  	s4 =	ssub.s32 $0x0, s20;
	[sflag:s22] =	ssyncset.done $0x0  }
0xa0: {  	[sflag:s22] =	ssyncadd.s32 s4;
	_ =	sdelay $0x1  }
0xa1: {  	s23 =	simm.s32 $0x1B8B  }
0xa2: {  	_ =	swait.ge [sflag:s23], $0x1  }
0xa3: {  	[sflag:s23] =	ssyncset.done $0x0  }
0xa4: {  	s25 =	simm.s32 $0x1B8E;
	s24 =	sld [smem:$0x3FFE];
	[sflag:s23] =	ssyncadd.s32 $0xFFFFFFFF  }
0xa5: {  	s26 =	simm.s32 $execute0_lowered;
	[smem:$0x3FD2] =	sst s25  }
0xa6: {  	s5 =	sshll.u32 s26, $0x1;
	_ =	strace $0x80000046;
	[dreg:$0x1] =	wrdreg $0xFFFFFFFF  }
0xa7: {  	s28 =	simm.s32 $_size_execute0_lowered;
	s3 =	sadd.s32 s3, s5;
	[dreg:$0x0] =	wrdreg $0x0  }
0xa8: {  	s5 =	sshll.u32 s28, $0x1;
	[dreg:$0x2] =	wrdreg s3  }
0xa9: {  	[dreg:$0x3] =	wrdreg s5  }
0xaa: {  	[dreg:$0x4] =	wrdreg $0xC0  }
0xab: {  	_ =	task [dreg:s7], $0x5FFFF  }
0xac: {  	[dreg:$0x1] =	wrdreg $0xFFFFFFFF  }
0xad: {  	[dreg:$0x0] =	wrdreg $0x60  }
0xae: {  	[dreg:$0x2] =	wrdreg s2  }
0xaf: {  	[dreg:$0x3] =	wrdreg s24  }
0xb0: {  	[dreg:$0x4] =	wrdreg $0x9  }
0xb1: {  	_ =	task.clear_ibuf [dreg:s7], $0x5FFFF;
	_ =	strace $0x90000046  }
0xb2: {  	s29 =	simm.s32 $0x9;
	_ =	strace $0x80000048  }
0xb3: {  	_ =	swait.ge [sflag:s29], $0x1  }
0xb4: {  	[sflag:s29] =	ssyncadd.s32 $0xFFFFFFFF  }
0xb5: {  	_ =	strace $0x90000048  }
0xb6: {  	_ =	sfence  }
0xb7: {  	s30 =	sld [smem:$0x0];
	_ =	sdelay $0x2  }
0xb8: {  	s31 =	sshll.u32 s1, $0xD;
	s1 =	sshrl.u32 s1, $0x2  }
0xb9: {  	s3 =	sand.u32 $0x4000, s31;
	s1 =	sadd.s32 s1, s30  }
0xba: {  	s0 =	sor.u32 s3, s0;
	s1 =	sshll.u32 s1, $0x11  }
0xbb: {  	s0 =	sor.u32 s1, s0  }
0xbc: {  	s0 =	sadd.s32 $0x8F2B, s0  }
0xbd: {  	[sflag:s0] =	ssyncadd.remote.s32 $0x1  }
0xbe: {  	_ =	sfence.sel $0xFFFF  }
0xbf: {  	[dreg:$0x0] =	wrdreg $0xFFFFFFFF;
	(pc) =	sbr.abs _section_cstart, $3  }
0xc0: {  	[dreg:$0x1] =	wrdreg $0xFFFFFFFF  }
0xc1: {  	_ =	task.clear_ibuf [dreg:s7], $0x2FFFF;
	_ =	strace $0x9FFFFFFF  }
0xc2: {  	(tm) =	ssettm $0x7FFFFFFF  }
0xc3: {  	_ =	shalt  }
tec
execute0_lowered:
.L_overlay_start_1:
0x0: {  	(tag) =	ssettag $0x1  }
0x1: {  	s6 =	rddreg [dreg:$0x0]  }
0x2: {  	s5 =	rddreg [dreg:$0x1]  }
0x3: {  	s2 =	srdreg.scid;
	s0 =	stileid.u32  }
0x4: {  	s13 =	simm.s32 $0x80;
	s14 =	simm.s32 $0x6400;
	s15 =	simm.s32 $0x8400  }
0x5: {  	s16 =	simm.s32 $0x2;
	s17 =	simm.s32 $0x1C00;
	s18 =	simm.s32 $0x4  }
0x6: {  	s19 =	simm.s32 $0x100;
	s20 =	simm.s32 $0x3;
	s21 =	simm.s32 $0x5  }
0x7: {  	s22 =	simm.s32 $0x40;
	s23 =	simm.s32 $0x6380;
	s4 =	sand.u32 $0x1, s2  }
0x8: {  	s2 =	simm.s32 $0x0;
	s3 =	sshll.u32 s0, $0xA;
	s7 =	sshll.u32 s4, $0x9  }
0x9: {  	s24 =	simm.s32 $0x0;
	[smem:$0x7FF] =	sst s2;
	s3 =	sor.u32 s7, s3  }
0xa: {  	s31 =	ssub.s32 $0x2, s4;
	s4 =	sadd.s32 $0xF42E00, s5;
	s8 =	smul.u32 $0x1C00, s3  }
0xb: {  	s5 =	sadd.s32 $0xA00, s5;
	_ =	strace $0x80000047;
	s9 =	sshrl.u32 s31, $0x1  }
0xc: {  	s10 =	sshrl.u32 s3, $0x3;
	s11 =	smul.u32 $0x380, s3;
	s8 =	sshrl.u32 s8, $0x3  }
0xd: {  	s7 =	ssub.s32 s31, s9;
	s6 =	sadd.s32 s6, s10;
	s12 =	sadd.s32 s5, s8  }
0xe: {  	s7 =	smax.u32 s7, $0x1;
	s8 =	sadd.s32 s5, s11;
	s9 =	sadd.s32 $0x1C000, s12  }
0xf: {  	s10 =	sadd.s32 $0x38310, s12;
	s11 =	sadd.s32 $0x54310, s12;
	s12 =	simm.s32 $0x4000  }
.LBB2_1:
0x10: {  	s28 =	simm.s32 $0x200;
	s25 =	simm.s32 $0x1  }
0x11: {  	[tilespmem:s2], [sflag:$0x1] =	stream.strided.gather [hbm4b:s6+s28], $0x6400, s12, s28, $0x38;
	[tilespmem:$0xA400] =	vst v63  }
0x12: {  	_ =	swait.ge [sflag:s25], $0x6400  }
0x13: {  	[sflag:s25] =	ssyncset.done $0x0  }
0x14: {  	[sflag:s25] =	ssyncadd.s32 $0xFFFF9C00  }
0x15: {  	[tilespmem:s14], [sflag:$0x2] =	stream.indirect.gather [hbm4b:s4+s13], $0x40, s2, s13, $0xb8;
	[tilespmem:$0xA400] =	vst v63  }
0x16: {  	_ = 	snop  }
0x17: {  	[tilespmem:s15], [sflag:$0x3] =	stream.indirect.gather [hbm4b:s4+s13], $0x40, s13, s13, $0xb8;
	[tilespmem:$0xA400] =	vst v63  }
0x18: {  	_ =	swait.ge [sflag:s16], $0x2000  }
0x19: {  	[sflag:s16] =	ssyncset.done $0x0  }
0x1a: {  	[sflag:s16] =	ssyncadd.s32 $0xFFFFE000  }
0x1b: {  	[hbm4b:s8+s22] =	stream.strided.scatter [tilespmem:s14], [sflag:$0x4], $0x2000, s17, s22, $0x38;
	[tilespmem:$0xA400] =	vst v63  }
0x1c: {  	_ =	swait.ge [sflag:s18], $0x2000  }
0x1d: {  	[sflag:s18] =	ssyncset.done $0x0  }
0x1e: {  	[sflag:s18] =	ssyncadd.s32 $0xFFFFE000  }
0x1f: {  	[tilespmem:s14], [sflag:$0x2] =	stream.indirect.gather [hbm4b:s4+s13], $0x40, s19, s13, $0xb8;
	[tilespmem:$0xA400] =	vst v63  }
0x20: {  	s29 =	simm.s32 $0x100;
	_ =	swait.ge [sflag:s20], $0x2000  }
0x21: {  	s26 =	simm.s32 $0x800;
	s29 =	sand.u32 $0x100, s29;
	[sflag:s20] =	ssyncset.done $0x0  }
0x22: {  	s31 =	sor.u32 $0x80, s29;
	s29 =	sor.u32 s3, s29;
	[sflag:s20] =	ssyncadd.s32 $0xFFFFE000  }
0x23: {  	[hbm4b:s9+s22] =	stream.strided.scatter [tilespmem:s15], [sflag:$0x5], $0x2000, s17, s22, $0x38;
	[tilespmem:$0xA400] =	vst v63  }
0x24: {  	s30 =	simm.s32 $0x100;
	s29 =	smul.u32 $0x1C00, s29;
	_ =	swait.ge [sflag:s21], $0x2000  }
0x25: {  	s0 =	sand.u32 $0x1F80, s22;
	s30 =	sand.u32 $0x3FFFFE00, s30;
	[sflag:s21] =	ssyncset.done $0x0  }
0x26: {  	s30 =	sor.u32 s31, s30;
	s0 =	sor.u32 s0, s29;
	[sflag:s21] =	ssyncadd.s32 $0xFFFFE000  }
0x27: {  	[tilespmem:s15], [sflag:$0x3] =	stream.indirect.gather [hbm4b:s4+s13], $0x40, s30, s13, $0xb8;
	[tilespmem:$0xA400] =	vst v63  }
0x28: {  	s28 =	sand.u32 $0x100, s28;
	s0 =	sshrl.u32 s0, $0x3;
	_ =	swait.ge [sflag:s16], $0x2000  }
0x29: {  	s0 =	sadd.s32 s5, s0;
	s30 =	sor.u32 s3, s31;
	[sflag:s16] =	ssyncset.done $0x0  }
0x2a: {  	s29 =	smul.u32 $0x1C00, s30;
	s30 =	simm.s32 $0x40;
	[sflag:s16] =	ssyncadd.s32 $0xFFFFE000  }
0x2b: {  	[hbm4b:s0+s22] =	stream.strided.scatter [tilespmem:s14], [sflag:$0x4], $0x2000, s17, s22, $0x38;
	[tilespmem:$0xA400] =	vst v63  }
0x2c: {  	s31 =	sand.u32 $0xFFFFFF80, s30;
	s30 =	sand.u32 $0x3F800, s26;
	_ =	swait.ge [sflag:s18], $0x2000  }
0x2d: {  	s30 =	sshrl.u32 s30, $0x2;
	s0 =	sadd.s32 s31, s29;
	[sflag:s18] =	ssyncset.done $0x0  }
0x2e: {  	s28 =	sor.u32 s28, s30;
	s0 =	sshrl.u32 s0, $0x3;
	[sflag:s18] =	ssyncadd.s32 $0xFFFFE000  }
0x2f: {  	[tilespmem:s14], [sflag:$0x2] =	stream.indirect.gather [hbm4b:s4+s13], $0x40, s28, s13, $0xb8;
	[tilespmem:$0xA400] =	vst v63  }
0x30: {  	s29 =	simm.s32 $0x300;
	s30 =	sadd.s32 s5, s0;
	s28 =	simm.s32 $0x80  }
.LBB2_2:
0x31: {  	s25 =	sadd.s32 $0x1, s25  }
0x32: {  	_ =	swait.ge [sflag:s20], $0x2000;
	s26 =	sadd.s32 $0x400, s26;
	s0 =	smov.u32 s28  }
0x33: {  	p0 =	sne.s32 s28, $0x1880;
	s28 =	sadd.s32 $0x40, s28;
	[sflag:s20] =	ssyncset.done $0x0  }
0x34: {  	s31 =	sadd.s32 $0xFFFFFF00, s29;
	[sflag:s20] =	ssyncadd.s32 $0xFFFFE000  }
0x35: {  	[hbm4b:s30+s22] =	stream.strided.scatter [tilespmem:s15], [sflag:$0x5], $0x2000, s17, s22, $0x38;
	[tilespmem:$0xA400] =	vst v63  }
0x36: {  	s30 =	sand.u32 $0x100, s31;
	s31 =	sshll.u32 s25, $0x8;
	_ =	swait.ge [sflag:s21], $0x2000  }
0x37: {  	s1 =	sor.u32 $0x80, s30;
	s31 =	sand.u32 $0x3FFFFE00, s31;
	s30 =	sor.u32 s3, s30  }
0x38: {  	s31 =	sor.u32 s1, s31;
	s30 =	smul.u32 $0x1C00, s30;
	[sflag:s21] =	ssyncset.done $0x0  }
0x39: {  	s0 =	sand.u32 $0x1F80, s0;
	s1 =	sor.u32 s3, s1;
	[sflag:s21] =	ssyncadd.s32 $0xFFFFE000  }
0x3a: {  	s1 =	smul.u32 $0x1C00, s1;
	s0 =	sor.u32 s0, s30;
	s30 =	sshll.u32 s25, $0x6  }
0x3b: {  	s0 =	sshrl.u32 s0, $0x3;
	s30 =	sand.u32 $0xFFFFFF80, s30  }
0x3c: {  	[tilespmem:s15], [sflag:$0x3] =	stream.indirect.gather [hbm4b:s4+s13], $0x40, s31, s13, $0xb8;
	[tilespmem:$0xA400] =	vst v63  }
0x3d: {  	s1 =	sadd.s32 s30, s1;
	s31 =	sand.u32 $0x3F800, s26;
	_ =	swait.ge [sflag:s16], $0x2000  }
0x3e: {  	s0 =	sadd.s32 s5, s0;
	s1 =	sshrl.u32 s1, $0x3;
	[sflag:s16] =	ssyncset.done $0x0  }
0x3f: {  	s30 =	sand.u32 $0x100, s29;
	s31 =	sshrl.u32 s31, $0x2;
	[sflag:s16] =	ssyncadd.s32 $0xFFFFE000  }
0x40: {  	[hbm4b:s0+s22] =	stream.strided.scatter [tilespmem:s14], [sflag:$0x4], $0x2000, s17, s22, $0x38;
	[tilespmem:$0xA400] =	vst v63  }
.Ltmp0:
0x41: {  	_ = 	snop;
	(pc) =	sbr.rel @p0 .LBB2_2-.Ltmp0, $4  }
0x42: {  	s0 =	sor.u32 s30, s31;
	_ =	swait.ge [sflag:s18], $0x2000  }
0x43: {  	[sflag:s18] =	ssyncset.done $0x0  }
0x44: {  	s29 =	sadd.s32 $0x100, s29;
	s30 =	sadd.s32 s5, s1;
	[sflag:s18] =	ssyncadd.s32 $0xFFFFE000  }
0x45: {  	[tilespmem:s14], [sflag:$0x2] =	stream.indirect.gather [hbm4b:s4+s13], $0x40, s0, s13, $0xb8;
	[tilespmem:$0xA400] =	vst v63  }
0x46: {  	_ =	swait.ge [sflag:s20], $0x2000  }
0x47: {  	[sflag:s20] =	ssyncset.done $0x0  }
0x48: {  	[sflag:s20] =	ssyncadd.s32 $0xFFFFE000  }
0x49: {  	[hbm4b:s30+s22] =	stream.strided.scatter [tilespmem:s15], [sflag:$0x5], $0x2000, s17, s22, $0x38;
	[tilespmem:$0xA400] =	vst v63  }
0x4a: {  	_ =	swait.ge [sflag:s21], $0x2000  }
0x4b: {  	[sflag:s21] =	ssyncset.done $0x0  }
0x4c: {  	[sflag:s21] =	ssyncadd.s32 $0xFFFFE000  }
0x4d: {  	[tilespmem:s15], [sflag:$0x3] =	stream.indirect.gather [hbm4b:s4+s13], $0x40, s23, s13, $0xb8;
	[tilespmem:$0xA400] =	vst v63  }
0x4e: {  	_ =	swait.ge [sflag:s16], $0x2000  }
0x4f: {  	[sflag:s16] =	ssyncset.done $0x0  }
0x50: {  	[sflag:s16] =	ssyncadd.s32 $0xFFFFE000  }
0x51: {  	[hbm4b:s10+s22] =	stream.strided.scatter [tilespmem:s14], [sflag:$0x4], $0x2000, s17, s22, $0x38;
	[tilespmem:$0xA400] =	vst v63  }
0x52: {  	_ =	swait.ge [sflag:s20], $0x2000  }
0x53: {  	[sflag:s20] =	ssyncset.done $0x0  }
0x54: {  	s24 =	sadd.s32 $0x1, s24;
	[sflag:s20] =	ssyncadd.s32 $0xFFFFE000  }
0x55: {  	[hbm4b:s11+s22] =	stream.strided.scatter [tilespmem:s15], [sflag:$0x5], $0x2000, s17, s22, $0x38;
	[tilespmem:$0xA400] =	vst v63  }
0x56: {  	p0 =	sne.s32 s24, s7;
	_ =	swait.ge [sflag:s18], $0x2000  }
.Ltmp1:
0x57: {  	[sflag:s18] =	ssyncset.done $0x0;
	(pc) =	sbr.rel @p0 .LBB2_1-.Ltmp1, $4  }
0x58: {  	[sflag:s18] =	ssyncadd.s32 $0xFFFFE000  }
0x59: {  	_ =	swait.ge [sflag:s21], $0x2000  }
0x5a: {  	[sflag:s21] =	ssyncset.done $0x0  }
0x5b: {  	[sflag:s21] =	ssyncadd.s32 $0xFFFFE000  }
0x5c: {  	_ =	sfence.sel $0x180000  }
0x5d: {  	[bflag:$0x0] =	sbarrier.arrive $0xFFFF  }
0x5e: {  	_ =	strace $0x90000047  }
0x5f: {  	s0 =	stileid.u32;
	[bflag:$0x2] =	sbarrier.arrive $0xFFFF  }
0x60: {  	p0 =	sne.s32 s0, $0x0;
	s0 =	rddreg [dreg:$0x2]  }
0x61: {  	s0 =	sadd.s32 @!p0 $0x100000, s0  }
0x62: {  	[sflag:s0] =	ssyncadd.tile.s32 @!p0 $0x1;
	_ =	shalt  }
.Lfunc_end2:
_tile_overlayer_lowered:
.L_overlay_start_2:
0x63: {  	(tag) =	ssettag $0x2  }
0x64: {  	s0 =	rddreg [dreg:$0x0];
	s2 =	stileid.u32  }
0x65: {  	s1 =	rddreg [dreg:$0x1];
	p0 =	sne.s32 s2, $0x0  }
0x66: {  	s3 =	rddreg [dreg:$0x2];
	[bflag:$0x3] =	sbarrier.arrive $0xFFFF;
	s2 =	simm.s32 @!p0 $0x1C06  }
0x67: {  	[timem:s3], [sflag:s2] =	dma.local @!p0 [hbm:s0], s1  }
0x68: {  	s0 =	simm.s32 @!p0 $0x6  }
0x69: {  	_ =	swait.ge @!p0 [sflag:s0], s1  }
0x6a: {  	s1 =	ssub.s32 @!p0 $0x0, s1;
	[sflag:s0] =	ssyncset.done @!p0 $0x0  }
0x6b: {  	[sflag:s0] =	ssyncadd.s32 @!p0 s1  }
0x6c: {  	[bflag:$0x3] =	sbarrier.arrive $0xFFFF  }
0x6d: {  	_ =	shalt  }

// kernel: sparse-core-data-format-call.cloned.1.call-start
scs
called_computation_lowered:
.L_overlay_start_0:
0x0: {  	s2 =	sld [smem:$0x3FD9]  }
0x1: {  	s3 =	sld [smem:$0x3FFE];
	_ =	sdelay $0x1  }
0x2: {  	s1 =	srdreg.scid  }
0x3: {  	s0 =	sand.u32 $0x1, s1  }
0x4: {  	s18 =	sshll.u32 s0, $0xA;
	s2 =	sadd.s32 s3, s2  }
0x5: {  	s2 =	sadd.s32 s2, s18  }
0x6: {  	[smem:$0x3FC6] =	sst s2  }
0x7: {  	_ = 	snop  }
0x8: {  	s2 =	sld [smem:$0x3FD0];
	(tm) =	ssettm $0x1  }
0x9: {  	s19 =	sld [smem:$0x3FFB];
	_ =	sdelay $0x3  }
0xa: {  	_ =	strace s19  }
0xb: {  	s3 =	sld [smem:$0x3FFC];
	_ =	sdelay $0x3  }
0xc: {  	_ =	strace s3  }
0xd: {  	s3 =	sld [smem:$0x3FFD];
	_ =	sdelay $0x3  }
0xe: {  	_ =	strace s3  }
0xf: {  	_ =	strace $0x8FFFFFFF  }
0x10: {  	s20 =	sld [smem:$0x3FDB];
	_ =	sdelay $0x1  }
0x11: {  	s4 =	simm.s32 $_scs_section_size  }
0x12: {  	s5 =	simm.s32 $_size__tile_overlayer_lowered;
	s6 =	simm.s32 $_tile_overlayer_lowered  }
0x13: {  	s23 =	simm.s32 $0x1BFF;
	s22 =	sshll.u32 s6, $0x1;
	s3 =	sadd.s32 s4, s20  }
0x14: {  	s7 =	simm.s32 $0x0;
	s21 =	sshll.u32 s5, $0x1;
	s5 =	sadd.s32 s22, s3  }
0x15: {  	[timem:s7], [sflag:s23] =	dma.local [hbm:s5], s21  }
0x16: {  	_ =	swait.ge [sflag:s23], s21  }
0x17: {  	s4 =	ssub.s32 $0x0, s21;
	[sflag:s23] =	ssyncset.done $0x0  }
0x18: {  	[sflag:s23] =	ssyncadd.s32 s4;
	_ =	sdelay $0x1  }
0x19: {  	s24 =	simm.s32 $0x1B8B  }
0x1a: {  	_ =	swait.ge [sflag:s24], $0x1  }
0x1b: {  	[sflag:s24] =	ssyncset.done $0x0  }
0x1c: {  	s26 =	simm.s32 $0x1B8E;
	s25 =	sld [smem:$0x3FFE];
	[sflag:s24] =	ssyncadd.s32 $0xFFFFFFFF  }
0x1d: {  	s27 =	simm.s32 $execute0_lowered;
	[smem:$0x3FD2] =	sst s26  }
0x1e: {  	s5 =	sshll.u32 s27, $0x1;
	_ =	strace $0x80000049;
	[dreg:$0x1] =	wrdreg $0xFFFFFFFF  }
0x1f: {  	s28 =	simm.s32 $_size_execute0_lowered;
	s3 =	sadd.s32 s3, s5;
	[dreg:$0x0] =	wrdreg $0x0  }
0x20: {  	s5 =	sshll.u32 s28, $0x1;
	[dreg:$0x2] =	wrdreg s3  }
0x21: {  	[dreg:$0x3] =	wrdreg s5  }
0x22: {  	[dreg:$0x4] =	wrdreg $0xC0  }
0x23: {  	_ =	task [dreg:s7], $0x5FFFF  }
0x24: {  	[dreg:$0x1] =	wrdreg $0xFFFFFFFF  }
0x25: {  	[dreg:$0x0] =	wrdreg $0x60  }
0x26: {  	[dreg:$0x2] =	wrdreg s25  }
0x27: {  	[dreg:$0x3] =	wrdreg s2  }
0x28: {  	[dreg:$0x4] =	wrdreg $0x9  }
0x29: {  	_ =	task.clear_ibuf [dreg:s7], $0x5FFFF;
	_ =	strace $0x90000049  }
0x2a: {  	s29 =	simm.s32 $0x9;
	_ =	strace $0x8000004B  }
0x2b: {  	_ =	swait.ge [sflag:s29], $0x1  }
0x2c: {  	[sflag:s29] =	ssyncadd.s32 $0xFFFFFFFF  }
0x2d: {  	_ =	strace $0x9000004B  }
0x2e: {  	_ =	sfence  }
0x2f: {  	s30 =	sld [smem:$0x0];
	_ =	sdelay $0x2  }
0x30: {  	s31 =	sshll.u32 s1, $0xD;
	s1 =	sshrl.u32 s1, $0x2  }
0x31: {  	s3 =	sand.u32 $0x4000, s31;
	s1 =	sadd.s32 s1, s30  }
0x32: {  	s0 =	sor.u32 s3, s0;
	s1 =	sshll.u32 s1, $0x11  }
0x33: {  	s0 =	sor.u32 s1, s0  }
0x34: {  	s0 =	sadd.s32 $0x8F2B, s0  }
0x35: {  	[sflag:s0] =	ssyncadd.remote.s32 $0x1  }
0x36: {  	_ =	sfence.sel $0xFFFF  }
0x37: {  	[dreg:$0x0] =	wrdreg $0xFFFFFFFF;
	(pc) =	sbr.abs _section_cstart, $3  }
0x38: {  	[dreg:$0x1] =	wrdreg $0xFFFFFFFF  }
0x39: {  	_ =	task.clear_ibuf [dreg:s7], $0x2FFFF;
	_ =	strace $0x9FFFFFFF  }
0x3a: {  	(tm) =	ssettm $0x7FFFFFFF  }
0x3b: {  	_ =	shalt  }
tec
execute0_lowered:
.L_overlay_start_1:
0x0: {  	(tag) =	ssettag $0x1  }
0x1: {  	s0 =	srdreg.scid  }
0x2: {  	s1 =	sshll.u32 s0, $0x4  }
0x3: {  	s0 =	stileid.u32;
	s1 =	sand.u32 $0x10, s1  }
0x4: {  	s1 =	sor.u32 s0, s1  }
0x5: {  	s6 =	rddreg [dreg:$0x0];
	s4 =	simm.s32 $0x1;
	s2 =	sshll.u32 s1, $0x7  }
0x6: {  	s7 =	simm.s32 $0x2;
	s12 =	simm.s32 $0x0;
	s1 =	ssub.s32 $0x4000, s2  }
0x7: {  	s8 =	simm.s32 $0x20000;
	s13 =	simm.s32 $0x0;
	s3 =	sand.u32 $0xF80, s1  }
0x8: {  	s9 =	simm.s32 $0x0;
	s5 =	sshrl.u32 s1, $0xC;
	p0 =	sne.s32 s3, $0x0  }
.Ltmp0:
0x9: {  	s1 =	rddreg [dreg:$0x2];
	s4 =	simm.s32 @!p0 $0x0;
	(pc) =	sbr.rel .LBB1_1-.Ltmp0, $4  }
0xa: {  	s11 =	simm.s32 $0x0;
	s3 =	rddreg [dreg:$0x1];
	s5 =	sadd.s32 s4, s5  }
0xb: {  	_ =	strace $0x8000004A;
	s4 =	simm.s32 $0x1;
	s5 =	smul.u32 $0x32, s5  }
0xc: {  	s6 =	sadd.s32 $0xA00, s6;
	s10 =	smov.u32 s2;
	[sflag:s4] =	ssyncpa.u1 $0x0  }
0xd: {  	p0 =	por $0x0, $0x0;
	[sflag:s7] =	ssyncpa.u1 $0x0;
	s7 =	sor.u32 $0x1, s5  }
.LBB1_4:
0xe: {  	s16 =	sshll.u32 s13, $0x3;
	s17 =	sand.u32 $0x78, s13  }
0xf: {  	s30 =	sand.u32 $0x1F800, s13;
	s12 =	sshll.u32 s12, $0x11;
	s16 =	sand.u32 $0x3C00, s16  }
0x10: {  	[tilespmem:s15+$0x810 ss:$0x81] =	vst.msk $0xffff, v2;
	s31 =	sand.u32 $0x7, s13;
	s16 =	sor.u32 s17, s16;
	s17 =	sadd.s32 s3, s30  }
0x11: {  	[tilespmem:s15+$0x1020 ss:$0x81] =	vst.msk $0xffff, v0;
	s13 =	sshll.u32 s31, $0x12;
	s12 =	sadd.s32 s12, s17;
	s16 =	sshrl.u32 s16, $0x3  }
0x12: {  	[tilespmem:s15+$0x0 ss:$0x81] =	vst.msk $0xffff, v1;
	s13 =	sor.u32 $0x400, s13;
	s12 =	sadd.s32 s16, s12  }
0x13: {  	[hbm4b:s12+s13] =	stream.strided.scatter [tilespmem:s14], [sflag:$0x2], $0x2000, s8, s13, $0x20;
	[tilespmem:$0x8080] =	vst v63  }
.LBB1_5:
0x14: {  	s14 =	sadd.s32 $0x1, s9  }
0x15: {  	s12 =	sadd.s32 $0x1000, s10;
	s16 =	smov.u32 s10;
	p2 =	sgt.s32 s14, $0x31  }
0x16: {  	s16 =	smov.u32 @p2 s12  }
0x17: {  	s14 =	simm.s32 @p2 $0x0;
	p2 =	sgt.s32 s16, $0x3FFF  }
0x18: {  	s16 =	smov.u32 @p2 s2;
	p2 =	sne.s32 s11, s7  }
.Ltmp1:
0x19: {  	p1 =	slt.u32 s11, $0x2;
	(pc) =	sbr.rel @!p2 .LBB1_6-.Ltmp1, $4  }
0x1a: {  	s15 =	simm.s32 @!p1 $0x2  }
0x1b: {  	s13 =	smov.u32 s10;
	p0 =	por !p0, !p0;
	_ =	swait.ge @!p1 [sflag:s15], $0x2000  }
0x1c: {  	s12 =	smov.u32 s9;
	[sflag:s15] =	ssyncset.done @!p1 $0x0;
	s9 =	smov.u32 s14  }
0x1d: {  	s11 =	sadd.s32 $0x1, s11;
	[sflag:s15] =	ssyncadd.s32 @!p1 $0xFFFFE000;
	s10 =	smov.u32 s16  }
.LBB1_1:
0x1e: {  	p1 =	sge.u32 s11, s5  }
0x1f: {  	s14 =	sand.u32 @!p1 $0x1FFFFFF, s9  }
0x20: {  	s15 =	smulhi.u32 @!p1 $0x4924925, s14;
	_ =	sdelay $0x1  }
0x21: {  	s15 =	smul.u32 @!p1 $0x38, s15  }
0x22: {  	s16 =	sxor.u32 @!p1 $0xFFFFFFFF, s11;
	s17 =	smul.u32 @!p1 $0x380, s10  }
0x23: {  	s31 =	sadd.s32 $0xFFFFFFFF, s11;
	s16 =	sshll.u32 @!p1 s16, $0xD;
	s14 =	ssub.s32 @!p1 s14, s15  }
0x24: {  	s15 =	sand.u32 @!p1 $0x2000, s16;
	s16 =	sadd.s32 @!p1 s6, s17;
	s14 =	sshll.u32 @!p1 s14, $0x4  }
0x25: {  	s17 =	simm.s32 @!p1 $0x1C00;
	s14 =	sadd.s32 @!p1 s14, s16;
	s16 =	simm.s32 @!p1 $0x40  }
0x26: {  	[tilespmem:s15], [sflag:$0x1] =	stream.strided.gather @!p1 [hbm4b:s14+s16], $0x2000, s17, s16, $0x38;
	[tilespmem:$0x8080] =	vst v63  }
0x27: {  	p1 =	sge.u32 s31, s5  }
.Ltmp2:
0x28: {  	_ = 	snop;
	(pc) =	sbr.rel @p1 .LBB1_5-.Ltmp2, $1  }
0x29: {  	_ =	sdelay $0x3  }
0x2a: {  	s14 =	simm.s32 $0x1  }
0x2b: {  	_ =	swait.ge [sflag:s4], $0x2000;
	s14 =	simm.s32 @!p0 $0x0  }
0x2c: {  	[sflag:s4] =	ssyncset.done $0x0;
	s15 =	sshll.u32 s14, $0xD  }
0x2d: {  	[sflag:s4] =	ssyncadd.s32 $0xFFFFE000;
	s18 =	sor.u32 $0x20, s15  }
0x2e: {  	s14 =	smul.u32 $0x8100, s14;
	v3 =	vld [tilespmem:s18+$0x10]  }
0x2f: {  	s30 =	sand.u32 $0x1, s11;
	v2 =	vld [tilespmem:s18+$0xFFFFFFF0]  }
0x30: {  	s15 =	smul.u32 $0x8100, s30;
	s14 =	sshrl.u32 s14, $0x2;
	v0 =	vld [tilespmem:s18+$0x0]  }
0x31: {  	v1 =	vld [tilespmem:s18+$0xFFFFFFE0];
	s16 =	sor.u32 $0x4000, s14  }
0x32: {  	s31 =	sshrl.u32 s15, $0x2;
	s15 =	sadd.s32 $0x0, s16  }
0x33: {  	s17 =	simm.s32 $0x4;
	s18 =	sadd.s32 $0x40, s18;
	s14 =	sor.u32 $0x4000, s31;
	[tilespmem:s15+$0x1830 ss:$0x81] =	vst.msk $0xffff, v3  }
.LBB1_3:
0x34: {  	v3 =	vld [tilespmem:s18+$0x10];
	p1 =	sne.s32 s17, $0x1FC;
	[tilespmem:s15+$0x810 ss:$0x81] =	vst.msk $0xffff, v2;
	s19 =	smov.u32 s17;
	s17 =	sadd.s32 $0x4, s17  }
.Ltmp3:
0x35: {  	v2 =	vld [tilespmem:s18+$0xFFFFFFF0];
	[tilespmem:s15+$0x1020 ss:$0x81] =	vst.msk $0xffff, v0;
	(pc) =	sbr.rel @p1 .LBB1_3-.Ltmp3, $4  }
0x36: {  	v0 =	vld [tilespmem:s18+$0x0];
	[tilespmem:s15+$0x0 ss:$0x81] =	vst.msk $0xffff, v1  }
0x37: {  	s15 =	sshra.s32 s19, $0x2;
	v1 =	vld [tilespmem:s18+$0xFFFFFFE0]  }
0x38: {  	s15 =	sadd.s32 s15, s16  }
0x39: {  	s18 =	sadd.s32 $0x40, s18;
	[tilespmem:s15+$0x1830 ss:$0x81] =	vst.msk $0xffff, v3  }
.Ltmp4:
0x3a: {  	_ = 	snop;
	(pc) =	sbr.rel .LBB1_4-.Ltmp4, $1  }
0x3b: {  	_ =	sdelay $0x3  }
.LBB1_6:
0x3c: {  	_ =	sfence.sel $0x180000  }
0x3d: {  	s2 =	simm.s32 $0x1;
	[bflag:$0x0] =	sbarrier.arrive $0xFFFF  }
0x3e: {  	s31 =	simm.s32 $0x2;
	[sflag:s2] =	ssyncpa.u1 $0x1  }
0x3f: {  	[sflag:s31] =	ssyncpa.u1 $0x1  }
0x40: {  	p0 =	sne.s32 s0, $0x0;
	_ =	strace $0x9000004A  }
0x41: {  	s0 =	sadd.s32 @!p0 $0x100000, s1;
	[bflag:$0x2] =	sbarrier.arrive $0xFFFF  }
0x42: {  	[sflag:s0] =	ssyncadd.tile.s32 @!p0 $0x1;
	_ =	shalt  }
.Lfunc_end1:
_tile_overlayer_lowered:
.L_overlay_start_2:
0x43: {  	(tag) =	ssettag $0x2  }
0x44: {  	s0 =	rddreg [dreg:$0x0];
	s2 =	stileid.u32  }
0x45: {  	s1 =	rddreg [dreg:$0x1];
	p0 =	sne.s32 s2, $0x0  }
0x46: {  	s3 =	rddreg [dreg:$0x2];
	[bflag:$0x3] =	sbarrier.arrive $0xFFFF;
	s2 =	simm.s32 @!p0 $0x1C01  }
0x47: {  	[timem:s3], [sflag:s2] =	dma.local @!p0 [hbm:s0], s1  }
0x48: {  	s0 =	simm.s32 @!p0 $0x1  }
0x49: {  	_ =	swait.ge @!p0 [sflag:s0], s1  }
0x4a: {  	s1 =	ssub.s32 @!p0 $0x0, s1;
	[sflag:s0] =	ssyncset.done @!p0 $0x0  }
0x4b: {  	[sflag:s0] =	ssyncadd.s32 @!p0 s1  }
0x4c: {  	[bflag:$0x3] =	sbarrier.arrive $0xFFFF  }
0x4d: {  	_ =	shalt  }

</sc_bundles>
